<compile_context>
chip_gen: v7x
topology: tpu7x:2x2x1
jax: 0.10.2.dev20260603
libtpu: 0.0.44.dev20260713+nightly
codegen_flags: <defaults>
</compile_context>

<pallas_src>
import numpy as np
import jax
import jax.numpy as jnp
from jax import lax
from jax.experimental import pallas as pl
from jax.experimental.pallas import tpu as pltpu
from jax.experimental.pallas import tpu_sc as plsc

VOCAB = 100000
EMB = 128
HID = 64
OUT = 256
B = 4096
L = 50

NC = 2
NS = 16
NW = NC * NS
BPW = B // NW


def _pool_body(tok_hbm, table_hbm, zero_hbm, out_hbm, tok_v, acc, sem):
    c = lax.axis_index("c")
    s = lax.axis_index("s")
    wid = c * NS + s

    pltpu.sync_copy(tok_hbm.at[wid], tok_v)
    pltpu.sync_copy(zero_hbm, acc)

    def fire(t, carry):
        pltpu.async_copy(table_hbm.at[tok_v.at[t]], acc, sem, add=True)
        return carry

    lax.fori_loop(0, L, fire, 0)

    def drain(t, carry):
        pltpu.make_async_copy(table_hbm.at[tok_v.at[0]], acc, sem).wait()
        return carry

    lax.fori_loop(0, L, drain, 0)

    pltpu.sync_copy(acc, out_hbm.at[pl.ds(wid * BPW, BPW)])


_pool = pl.kernel(
    _pool_body,
    mesh=plsc.VectorSubcoreMesh(core_axis_name="c", subcore_axis_name="s"),
    out_type=jax.ShapeDtypeStruct((B, EMB), jnp.float32),
    scratch_types=[
        pltpu.VMEM((L, BPW), jnp.int32),
        pltpu.VMEM((BPW, EMB), jnp.float32),
        pltpu.SemaphoreType.DMA,
    ],
)

MB = 512


def _mlp_body(x_ref, w1_ref, b1_ref, w2_ref, b2_ref, w3_ref, b3_ref, o_ref):
    x = x_ref[...] * jnp.float32(1.0 / L)
    h = jnp.dot(x, w1_ref[...], preferred_element_type=jnp.float32)
    h = jnp.maximum(h + b1_ref[...], 0.0)
    h = jnp.dot(h, w2_ref[...], preferred_element_type=jnp.float32)
    h = jnp.maximum(h + b2_ref[...], 0.0)
    o = jnp.dot(h, w3_ref[...], preferred_element_type=jnp.float32)
    o_ref[...] = o + b3_ref[...]


_mlp = pl.pallas_call(
    _mlp_body,
    grid=(B // MB,),
    in_specs=[
        pl.BlockSpec((MB, EMB), lambda i: (i, 0)),
        pl.BlockSpec((EMB, HID), lambda i: (0, 0)),
        pl.BlockSpec((1, HID), lambda i: (0, 0)),
        pl.BlockSpec((HID, HID), lambda i: (0, 0)),
        pl.BlockSpec((1, HID), lambda i: (0, 0)),
        pl.BlockSpec((HID, OUT), lambda i: (0, 0)),
        pl.BlockSpec((1, OUT), lambda i: (0, 0)),
    ],
    out_specs=pl.BlockSpec((MB, OUT), lambda i: (i, 0)),
    out_shape=jax.ShapeDtypeStruct((B, OUT), jnp.float32),
)


def kernel(token_ids, emb_table, W1, b1, W2, b2, W3, b3):
    tok = token_ids.astype(jnp.int32).reshape(NW, L, BPW)
    zero = jnp.zeros((BPW, EMB), jnp.float32)
    sums = _pool(tok, emb_table, zero)
    return _mlp(sums, W1, b1.reshape(1, HID), W2, b2.reshape(1, HID),
                W3, b3.reshape(1, OUT))

# --- scband reference (transcript-rebuilt; emitter-appended) ---
"""Pipeline reference for scband-fashion-text-encoder-30356828848502 (READ-ONLY COPY).

The authoritative reference and input builder live on the scoring server;
editing this copy changes nothing except your own understanding.
"""

import jax, jax.numpy as jnp
import numpy as np

VOCAB = 100000
EMB = 128
HID = 64
OUT = 256
B = 4096
L = 50

def setup_inputs(seed: int = 0) -> dict:
    key = jax.random.key(seed)
    k_tok, k_emb, k_w1, k_b1, k_w2, k_b2, k_w3, k_b3 = jax.random.split(key, 8)
    token_ids = jax.random.randint(k_tok, (B, L), 0, VOCAB, dtype=jnp.int64 if jax.config.jax_enable_x64 else jnp.int32)
    emb_table = jax.random.normal(k_emb, (VOCAB, EMB), dtype=jnp.float32) * 0.1
    # Linear layers stored as (in, out) matrices; math identical to torch x @ W.T + b
    W1 = jax.random.normal(k_w1, (EMB, HID), dtype=jnp.float32) * (1.0 / np.sqrt(EMB))
    b1 = jax.random.normal(k_b1, (HID,), dtype=jnp.float32) * 0.01
    W2 = jax.random.normal(k_w2, (HID, HID), dtype=jnp.float32) * (1.0 / np.sqrt(HID))
    b2 = jax.random.normal(k_b2, (HID,), dtype=jnp.float32) * 0.01
    W3 = jax.random.normal(k_w3, (HID, OUT), dtype=jnp.float32) * (1.0 / np.sqrt(HID))
    b3 = jax.random.normal(k_b3, (OUT,), dtype=jnp.float32) * 0.01
    return {"token_ids": token_ids, "emb_table": emb_table, "W1": W1, "b1": b1, "W2": W2, "b2": b2, "W3": W3, "b3": b3}

def reference(token_ids, emb_table, W1, b1, W2, b2, W3, b3):
    # embedding gather: [B, L, EMB]
    embedded = jnp.take(emb_table, token_ids, axis=0)
    # mean pool over sequence dim -> [B, EMB]
    pooled = jnp.mean(embedded, axis=1)
    x = pooled @ W1 + b1
    x = jax.nn.relu(x)
    # dropout is identity in eval mode
    x = x @ W2 + b2
    x = jax.nn.relu(x)
    style_embedding = x @ W3 + b3
    return style_embedding

if __name__ == "__main__":
    import jax
    _d = setup_inputs()
    print(jax.jit(kernel)(*tuple(_d.values())))

</pallas_src>

<mosaic_0001>
#map = affine_map<(d0, d1) -> (0, 0, 0)>
#map1 = affine_map<(d0, d1) -> (0, 0)>
module attributes {stable_mosaic.version = 14 : i64} {
  func.func @_pool_body(%arg0: i32, %arg1: i32, %arg2: memref<32x50x128xi32, #tpu.memory_space<hbm>>, %arg3: memref<100000x128xf32, #tpu.memory_space<hbm>>, %arg4: memref<128x128xf32, #tpu.memory_space<hbm>>, %arg5: memref<4096x128xf32, #tpu.memory_space<hbm>>, %arg6: memref<50x128xi32, #tpu.memory_space<vmem>>, %arg7: memref<128x128xf32, #tpu.memory_space<vmem>>, %arg8: memref<!tpu.dma_semaphore, #tpu.memory_space<semaphore_mem>>) attributes {dimension_semantics = [#tpu.dimension_semantics<core_parallel>, #tpu.dimension_semantics<subcore_parallel>], iteration_bounds = array<i64: 2, 16>, scalar_prefetch = 0 : i64, scratch_operands = 3 : i64, tpu.core_type = #tpu.core_type<sc_vector_subcore>, window_params = [{transform_indices = #map}, {transform_indices = #map1}, {transform_indices = #map1}, {transform_indices = #map1}]} {
    %mul3A = arith.constant 16 : i32
    %mul3A_0 = arith.muli %arg0, %mul3A : i32
    %add3A = arith.addi %mul3A_0, %arg1 : i32
    "tpu.region"() ({
      %run_scoped3A = tpu.sem_alloc : memref<!tpu.dma_semaphore, #tpu.memory_space<semaphore_mem>>
      %dma_start3A = arith.constant 0 : i32
      %dma_start3A_14 = arith.constant 0 : i32
      %dma_start3A_15 = tpu.memref_slice %arg2[%add3A, %dma_start3A, %dma_start3A_14] : memref<32x50x128xi32, #tpu.memory_space<hbm>> -> memref<1x50x128xi32, #tpu.memory_space<hbm>>
      %dma_start3A_16 = tpu.memref_squeeze %dma_start3A_15 : memref<1x50x128xi32, #tpu.memory_space<hbm>> -> memref<50x128xi32, #tpu.memory_space<hbm>>
      %dma_start3A_17 = arith.constant 0 : i32
      %dma_start3A_18 = arith.constant 0 : i32
      %dma_start3A_19 = tpu.memref_slice %arg2[%add3A, %dma_start3A_17, %dma_start3A_18] : memref<32x50x128xi32, #tpu.memory_space<hbm>> -> memref<1x50x128xi32, #tpu.memory_space<hbm>>
      %dma_start3A_20 = tpu.memref_squeeze %dma_start3A_19 : memref<1x50x128xi32, #tpu.memory_space<hbm>> -> memref<50x128xi32, #tpu.memory_space<hbm>>
      tpu.enqueue_dma source(%dma_start3A_20 : memref<50x128xi32, #tpu.memory_space<hbm>>) target(%arg6 : memref<50x128xi32, #tpu.memory_space<vmem>>) target_semaphore(%run_scoped3A : memref<!tpu.dma_semaphore, #tpu.memory_space<semaphore_mem>>)
      %dma_wait3A = arith.constant 0 : i32
      %dma_wait3A_21 = arith.constant 0 : i32
      %dma_wait3A_22 = tpu.memref_slice %arg2[%add3A, %dma_wait3A, %dma_wait3A_21] : memref<32x50x128xi32, #tpu.memory_space<hbm>> -> memref<1x50x128xi32, #tpu.memory_space<hbm>>
      %dma_wait3A_23 = tpu.memref_squeeze %dma_wait3A_22 : memref<1x50x128xi32, #tpu.memory_space<hbm>> -> memref<50x128xi32, #tpu.memory_space<hbm>>
      %dma_wait3A_24 = arith.constant 0 : i32
      %dma_wait3A_25 = arith.constant 0 : i32
      %dma_wait3A_26 = tpu.memref_slice %arg2[%add3A, %dma_wait3A_24, %dma_wait3A_25] : memref<32x50x128xi32, #tpu.memory_space<hbm>> -> memref<1x50x128xi32, #tpu.memory_space<hbm>>
      %dma_wait3A_27 = tpu.memref_squeeze %dma_wait3A_26 : memref<1x50x128xi32, #tpu.memory_space<hbm>> -> memref<50x128xi32, #tpu.memory_space<hbm>>
      tpu.wait_dma2 semaphore(%run_scoped3A : memref<!tpu.dma_semaphore, #tpu.memory_space<semaphore_mem>>) src(%dma_wait3A_27 : memref<50x128xi32, #tpu.memory_space<hbm>>) dst(%arg6 : memref<50x128xi32, #tpu.memory_space<vmem>>)
      tpu.yield
    }) : () -> ()
    "tpu.region"() ({
      %run_scoped3A = tpu.sem_alloc : memref<!tpu.dma_semaphore, #tpu.memory_space<semaphore_mem>>
      tpu.enqueue_dma source(%arg4 : memref<128x128xf32, #tpu.memory_space<hbm>>) target(%arg7 : memref<128x128xf32, #tpu.memory_space<vmem>>) target_semaphore(%run_scoped3A : memref<!tpu.dma_semaphore, #tpu.memory_space<semaphore_mem>>)
      tpu.wait_dma2 semaphore(%run_scoped3A : memref<!tpu.dma_semaphore, #tpu.memory_space<semaphore_mem>>) src(%arg4 : memref<128x128xf32, #tpu.memory_space<hbm>>) dst(%arg7 : memref<128x128xf32, #tpu.memory_space<vmem>>)
      tpu.yield
    }) : () -> ()
    %scan3A = arith.constant 0 : i32
    %scan3A_1 = arith.constant 0 : i32
    %scan3A_2 = arith.constant 50 : i32
    %scan3A_3 = arith.addi %scan3A_1, %scan3A_2 : i32
    %scan3A_4 = arith.constant 1 : i32
    scf.for %scan3A_14 = %scan3A_1 to %scan3A_3 step %scan3A_4  : i32 {
      %dma_start3A = arith.constant 0 : i32
      %dma_start3A_15 = tpu.memref_slice %arg6[%scan3A_14, %dma_start3A] : memref<50x128xi32, #tpu.memory_space<vmem>> -> memref<1x128xi32, #tpu.memory_space<vmem>>
      %dma_start3A_16 = tpu.memref_squeeze %dma_start3A_15 : memref<1x128xi32, #tpu.memory_space<vmem>> -> memref<128xi32, #tpu.memory_space<vmem>>
      %dma_start3A_17 = arith.constant 0 : i32
      %dma_start3A_18 = arith.constant 0 : i32
      %dma_start3A_19 = tpu.memref_slice %arg3[%dma_start3A_17, %dma_start3A_18] : memref<100000x128xf32, #tpu.memory_space<hbm>> -> memref<100000x128xf32, #tpu.memory_space<hbm>>
      tpu.enqueue_indirect_dma source(%dma_start3A_19 : memref<100000x128xf32, #tpu.memory_space<hbm>>) target(%arg7 : memref<128x128xf32, #tpu.memory_space<vmem>>) offsets(%dma_start3A_16 : memref<128xi32, #tpu.memory_space<vmem>>) semaphore(%arg8 : memref<!tpu.dma_semaphore, #tpu.memory_space<semaphore_mem>>) {add = true}
    }
    %scan3A_5 = arith.constant 50 : i32
    %scan3A_6 = arith.constant 0 : i32
    %scan3A_7 = arith.constant 0 : i32
    %scan3A_8 = arith.constant 50 : i32
    %scan3A_9 = arith.addi %scan3A_7, %scan3A_8 : i32
    %scan3A_10 = arith.constant 1 : i32
    scf.for %scan3A_14 = %scan3A_7 to %scan3A_9 step %scan3A_10  : i32 {
      %dma_wait3A = arith.constant 0 : i32
      %dma_wait3A_15 = arith.constant 0 : i32
      %dma_wait3A_16 = tpu.memref_slice %arg6[%dma_wait3A, %dma_wait3A_15] : memref<50x128xi32, #tpu.memory_space<vmem>> -> memref<1x128xi32, #tpu.memory_space<vmem>>
      %dma_wait3A_17 = tpu.memref_squeeze %dma_wait3A_16 : memref<1x128xi32, #tpu.memory_space<vmem>> -> memref<128xi32, #tpu.memory_space<vmem>>
      %dma_wait3A_18 = arith.constant 0 : i32
      %dma_wait3A_19 = arith.constant 0 : i32
      %dma_wait3A_20 = tpu.memref_slice %arg3[%dma_wait3A_18, %dma_wait3A_19] : memref<100000x128xf32, #tpu.memory_space<hbm>> -> memref<100000x128xf32, #tpu.memory_space<hbm>>
      tpu.wait_indirect_dma semaphore(%arg8 : memref<!tpu.dma_semaphore, #tpu.memory_space<semaphore_mem>>) src(%dma_wait3A_20 : memref<100000x128xf32, #tpu.memory_space<hbm>>) dst(%arg7 : memref<128x128xf32, #tpu.memory_space<vmem>>)
    }
    %scan3A_11 = arith.constant 50 : i32
    %mul3A_12 = arith.constant 128 : i32
    %mul3A_13 = arith.muli %add3A, %mul3A_12 : i32
    "tpu.region"() ({
      %run_scoped3A = tpu.sem_alloc : memref<!tpu.dma_semaphore, #tpu.memory_space<semaphore_mem>>
      %dma_start3A = arith.constant 0 : i32
      %dma_start3A_14 = tpu.memref_slice %arg5[%mul3A_13, %dma_start3A] : memref<4096x128xf32, #tpu.memory_space<hbm>> -> memref<128x128xf32, #tpu.memory_space<hbm>>
      %dma_start3A_15 = arith.constant 0 : i32
      %dma_start3A_16 = tpu.memref_slice %arg5[%mul3A_13, %dma_start3A_15] : memref<4096x128xf32, #tpu.memory_space<hbm>> -> memref<128x128xf32, #tpu.memory_space<hbm>>
      tpu.enqueue_dma source(%arg7 : memref<128x128xf32, #tpu.memory_space<vmem>>) target(%dma_start3A_16 : memref<128x128xf32, #tpu.memory_space<hbm>>) target_semaphore(%run_scoped3A : memref<!tpu.dma_semaphore, #tpu.memory_space<semaphore_mem>>)
      %dma_wait3A = arith.constant 0 : i32
      %dma_wait3A_17 = tpu.memref_slice %arg5[%mul3A_13, %dma_wait3A] : memref<4096x128xf32, #tpu.memory_space<hbm>> -> memref<128x128xf32, #tpu.memory_space<hbm>>
      %dma_wait3A_18 = arith.constant 0 : i32
      %dma_wait3A_19 = tpu.memref_slice %arg5[%mul3A_13, %dma_wait3A_18] : memref<4096x128xf32, #tpu.memory_space<hbm>> -> memref<128x128xf32, #tpu.memory_space<hbm>>
      tpu.wait_dma2 semaphore(%run_scoped3A : memref<!tpu.dma_semaphore, #tpu.memory_space<semaphore_mem>>) src(%arg7 : memref<128x128xf32, #tpu.memory_space<vmem>>) dst(%dma_wait3A_19 : memref<128x128xf32, #tpu.memory_space<hbm>>)
      tpu.yield
    }) : () -> ()
    return
  }
}

module attributes {stable_mosaic.version = 14 : i64} {
  func.func @_mlp_body(%arg0: i32, %arg1: memref<512x128xf32, #tpu.memory_space<vmem>>, %arg2: memref<128x64xf32, #tpu.memory_space<vmem>>, %arg3: memref<1x64xf32, #tpu.memory_space<vmem>>, %arg4: memref<64x64xf32, #tpu.memory_space<vmem>>, %arg5: memref<1x64xf32, #tpu.memory_space<vmem>>, %arg6: memref<64x256xf32, #tpu.memory_space<vmem>>, %arg7: memref<1x256xf32, #tpu.memory_space<vmem>>, %arg8: memref<512x256xf32, #tpu.memory_space<vmem>>) attributes {dimension_semantics = [#tpu.dimension_semantics<arbitrary>], iteration_bounds = array<i64: 8>, scalar_prefetch = 0 : i64, scratch_operands = 0 : i64, tpu.core_type = #tpu.core_type<tc>, window_params = [{transform_indices = @transform_0, window_bounds = array<i64: 512, 128>}, {pipeline_mode = #tpu.pipeline_mode<synchronous>, transform_indices = @transform_1, window_bounds = array<i64: 128, 64>}, {pipeline_mode = #tpu.pipeline_mode<synchronous>, transform_indices = @transform_2, window_bounds = array<i64: 1, 64>}, {pipeline_mode = #tpu.pipeline_mode<synchronous>, transform_indices = @transform_3, window_bounds = array<i64: 64, 64>}, {pipeline_mode = #tpu.pipeline_mode<synchronous>, transform_indices = @transform_4, window_bounds = array<i64: 1, 64>}, {pipeline_mode = #tpu.pipeline_mode<synchronous>, transform_indices = @transform_5, window_bounds = array<i64: 64, 256>}, {pipeline_mode = #tpu.pipeline_mode<synchronous>, transform_indices = @transform_6, window_bounds = array<i64: 1, 256>}, {transform_indices = @transform_7, window_bounds = array<i64: 512, 256>}]} {
    %get3A = arith.constant 0 : index
    %get3A_0 = arith.constant 0 : index
    %get3A_1 = vector.load %arg1[%get3A, %get3A_0] : memref<512x128xf32, #tpu.memory_space<vmem>>, vector<512x128xf32>
    %mul3A = arith.constant 2.000000e-02 : f32
    %mul3A_2 = vector.broadcast %mul3A : f32 to vector<512x128xf32>
    %mul3A_3 = arith.mulf %get3A_1, %mul3A_2 : vector<512x128xf32>
    %get3A_4 = arith.constant 0 : index
    %get3A_5 = arith.constant 0 : index
    %get3A_6 = vector.load %arg2[%get3A_4, %get3A_5] : memref<128x64xf32, #tpu.memory_space<vmem>>, vector<128x64xf32>
    %dot_general3A = arith.constant dense<0.000000e+00> : vector<512x64xf32>
    %dot_general3A_7 = tpu.matmul %mul3A_3, %get3A_6, %dot_general3A {dimension_numbers = #tpu.dot_dimension_numbers<[1], [0], [0], [1], [0, 0, 1, 1], [], []>, transpose_lhs_hint = false} : vector<512x128xf32>, vector<128x64xf32>, vector<512x64xf32> -> vector<512x64xf32>
    %get3A_8 = arith.constant 0 : index
    %get3A_9 = arith.constant 0 : index
    %get3A_10 = vector.load %arg3[%get3A_8, %get3A_9] : memref<1x64xf32, #tpu.memory_space<vmem>>, vector<1x64xf32>
    %add3A = vector.broadcast %get3A_10 : vector<1x64xf32> to vector<512x64xf32>
    %add3A_11 = arith.addf %dot_general3A_7, %add3A : vector<512x64xf32>
    %max3A = arith.constant 0.000000e+00 : f32
    %max3A_12 = vector.broadcast %max3A : f32 to vector<512x64xf32>
    %max3A_13 = arith.maximumf %add3A_11, %max3A_12 : vector<512x64xf32>
    %get3A_14 = arith.constant 0 : index
    %get3A_15 = arith.constant 0 : index
    %get3A_16 = vector.load %arg4[%get3A_14, %get3A_15] : memref<64x64xf32, #tpu.memory_space<vmem>>, vector<64x64xf32>
    %dot_general3A_17 = arith.constant dense<0.000000e+00> : vector<512x64xf32>
    %dot_general3A_18 = tpu.matmul %max3A_13, %get3A_16, %dot_general3A_17 {dimension_numbers = #tpu.dot_dimension_numbers<[1], [0], [0], [1], [0, 0, 1, 1], [], []>, transpose_lhs_hint = false} : vector<512x64xf32>, vector<64x64xf32>, vector<512x64xf32> -> vector<512x64xf32>
    %get3A_19 = arith.constant 0 : index
    %get3A_20 = arith.constant 0 : index
    %get3A_21 = vector.load %arg5[%get3A_19, %get3A_20] : memref<1x64xf32, #tpu.memory_space<vmem>>, vector<1x64xf32>
    %add3A_22 = vector.broadcast %get3A_21 : vector<1x64xf32> to vector<512x64xf32>
    %add3A_23 = arith.addf %dot_general3A_18, %add3A_22 : vector<512x64xf32>
    %max3A_24 = arith.constant 0.000000e+00 : f32
    %max3A_25 = vector.broadcast %max3A_24 : f32 to vector<512x64xf32>
    %max3A_26 = arith.maximumf %add3A_23, %max3A_25 : vector<512x64xf32>
    %get3A_27 = arith.constant 0 : index
    %get3A_28 = arith.constant 0 : index
    %get3A_29 = vector.load %arg6[%get3A_27, %get3A_28] : memref<64x256xf32, #tpu.memory_space<vmem>>, vector<64x256xf32>
    %dot_general3A_30 = arith.constant dense<0.000000e+00> : vector<512x256xf32>
    %dot_general3A_31 = tpu.matmul %max3A_26, %get3A_29, %dot_general3A_30 {dimension_numbers = #tpu.dot_dimension_numbers<[1], [0], [0], [1], [0, 0, 1, 1], [], []>, transpose_lhs_hint = false} : vector<512x64xf32>, vector<64x256xf32>, vector<512x256xf32> -> vector<512x256xf32>
    %get3A_32 = arith.constant 0 : index
    %get3A_33 = arith.constant 0 : index
    %get3A_34 = vector.load %arg7[%get3A_32, %get3A_33] : memref<1x256xf32, #tpu.memory_space<vmem>>, vector<1x256xf32>
    %add3A_35 = vector.broadcast %get3A_34 : vector<1x256xf32> to vector<512x256xf32>
    %add3A_36 = arith.addf %dot_general3A_31, %add3A_35 : vector<512x256xf32>
    %swap3A = arith.constant 0 : index
    %swap3A_37 = arith.constant 0 : index
    %swap3A_38 = vector.load %arg8[%swap3A, %swap3A_37] : memref<512x256xf32, #tpu.memory_space<vmem>>, vector<512x256xf32>
    tpu.vector_store %arg8[%swap3A, %swap3A_37], %add3A_36 {strides = array<i32>} : memref<512x256xf32, #tpu.memory_space<vmem>>, vector<512x256xf32>,
    return
  }
  func.func @transform_0(%arg0: i32) -> (i32, i32) {
    %c0_i32 = arith.constant 0 : i32
    %c0_i32_0 = arith.constant 0 : i32
    return %arg0, %c0_i32 : i32, i32
  }
  func.func @transform_1(%arg0: i32) -> (i32, i32) {
    %c0_i32 = arith.constant 0 : i32
    %c0_i32_0 = arith.constant 0 : i32
    %c0_i32_1 = arith.constant 0 : i32
    return %c0_i32, %c0_i32_0 : i32, i32
  }
  func.func @transform_2(%arg0: i32) -> (i32, i32) {
    %c0_i32 = arith.constant 0 : i32
    %c0_i32_0 = arith.constant 0 : i32
    %c0_i32_1 = arith.constant 0 : i32
    return %c0_i32, %c0_i32_0 : i32, i32
  }
  func.func @transform_3(%arg0: i32) -> (i32, i32) {
    %c0_i32 = arith.constant 0 : i32
    %c0_i32_0 = arith.constant 0 : i32
    %c0_i32_1 = arith.constant 0 : i32
    return %c0_i32, %c0_i32_0 : i32, i32
  }
  func.func @transform_4(%arg0: i32) -> (i32, i32) {
    %c0_i32 = arith.constant 0 : i32
    %c0_i32_0 = arith.constant 0 : i32
    %c0_i32_1 = arith.constant 0 : i32
    return %c0_i32, %c0_i32_0 : i32, i32
  }
  func.func @transform_5(%arg0: i32) -> (i32, i32) {
    %c0_i32 = arith.constant 0 : i32
    %c0_i32_0 = arith.constant 0 : i32
    %c0_i32_1 = arith.constant 0 : i32
    return %c0_i32, %c0_i32_0 : i32, i32
  }
  func.func @transform_6(%arg0: i32) -> (i32, i32) {
    %c0_i32 = arith.constant 0 : i32
    %c0_i32_0 = arith.constant 0 : i32
    %c0_i32_1 = arith.constant 0 : i32
    return %c0_i32, %c0_i32_0 : i32, i32
  }
  func.func @transform_7(%arg0: i32) -> (i32, i32) {
    %c0_i32 = arith.constant 0 : i32
    %c0_i32_0 = arith.constant 0 : i32
    return %arg0, %c0_i32 : i32, i32
  }
}

</mosaic_0001>

<sc_bundles>
// kernel: kernel.4.cloned.1.call-start
scs
__scs_entry_jumppad:
0x0: {  	(pc) =	sbr.rel $0x88, $3  }
0x1: {  	(tag) =	ssettag $0x0;
	lr =	simm.s32 $0x1  }
0x2: {  	[smem:$0x3F99] =	sst lr;
	_ =	strace $0xD0000000  }
0x3: {  	_ = 	snop  }
0x4: {  	_ = 	snop  }
0x5: {  	_ = 	snop  }
0x6: {  	_ = 	snop  }
0x7: {  	_ = 	snop  }
__scs_overlays_trampoline_lowered:
0x8: {  	[smem:$0x3FA8] =	sst s0  }
0x9: {  	[smem:$0x3FA9] =	sst s1  }
0xa: {  	[smem:$0x3FAA] =	sst s2  }
0xb: {  	[smem:$0x3FAB] =	sst s3  }
0xc: {  	[smem:$0x3FAC] =	sst s4  }
0xd: {  	[smem:$0x3FAD] =	sst s5  }
0xe: {  	[smem:$0x3FAE] =	sst s6  }
0xf: {  	[smem:$0x3FAF] =	sst s7  }
0x10: {  	[smem:$0x3FB0] =	sst s8  }
0x11: {  	[smem:$0x3FB1] =	sst s9;
	s0 =	simm.s32 @!p0 $0x0  }
0x12: {  	s1 =	sld [smem:$0x3F97];
	s0 =	simm.s32 @p0 $0x1  }
0x13: {  	[smem:$0x3FB2] =	sst s0;
	s0 =	simm.s32 @!p1 $0x0  }
0x14: {  	s2 =	sld [smem:$0x3F96];
	s0 =	simm.s32 @p1 $0x1  }
0x15: {  	[smem:$0x3FB3] =	sst s0;
	s0 =	simm.s32 @!p2 $0x0  }
0x16: {  	s3 =	sld [smem:$0x3FDB];
	s0 =	simm.s32 @p2 $0x1  }
0x17: {  	s4 =	simm.s32 $0x1BF5;
	[smem:$0x3FB5] =	sst s0  }
0x18: {  	s0 =	sld [smem:$0x3F98];
	_ =	swait.ge [sflag:s4], $0x0  }
0x19: {  	s7 =	sld [smem:$0x3F99]  }
0x1a: {  	s8 =	sadd.s32 $0xFFFFE003, lr  }
0x1b: {  	s9 =	sadd.s32 $0xFFFFFEF7, lr;
	s5 =	simm.s32 $0xFFFFFFFF;
	p2 =	slt.u32 s8, $0xFFFFF086  }
0x1c: {  	p1 =	slt.u32 s9, $0xF7A;
	s5 =	simm.s32 @!p2 $0x0  }
0x1d: {  	s5 =	simm.s32 @p1 $0x1;
	p0 =	seq.s32 s7, s2  }
0x1e: {  	s7 =	smul.u32 @!p0 $0xF7A, s2;
	p2 =	seq.s32 @!p0 s5, $0x0  }
0x1f: {  	s9 =	smul.u32 $0xF7A, s1;
	s8 =	simm.s32 @!p0 $0x1BF5;
	p2 =	por !p2, p0  }
0x20: {  	[sflag:s8] =	ssyncset.s32 @!p0 $0xFFFFF086;
	s6 =	sadd.s32 @!p0 s3, s7;
	s7 =	simm.s32 @!p0 $0x108  }
0x21: {  	s3 =	sadd.s32 s3, s9;
	s6 =	sadd.s32 @!p0 $0x88, s6;
	s7 =	simm.s32 @p2 $0x1082  }
0x22: {  	[simem:s7], [sflag:s8] =	dma.local @!p0 [hbm:s6], $0xF7A  }
0x23: {  	s9 =	sor.u32 $0xD0000000, s2;
	s6 =	simm.s32 $0x108;
	_ =	swait.ge @!p0 [sflag:s8], $0x0  }
0x24: {  	s3 =	sadd.s32 $0x88, s3;
	s6 =	simm.s32 @!p1 $0x1082;
	[sflag:s4] =	ssyncset.s32 $0xFFFFF086  }
0x25: {  	[simem:s6], [sflag:s4] =	dma.local [hbm:s3], $0xF7A  }
0x26: {  	[smem:$0x3F99] =	sst s1;
	(tag) =	ssettag s2;
	_ =	strace s9  }
0x27: {  	s1 =	sld [smem:$0x3FA9]  }
0x28: {  	s2 =	sld [smem:$0x3FAA]  }
0x29: {  	s4 =	sld [smem:$0x3FAC]  }
0x2a: {  	p0 =	seq.s32 s5, $0x0;
	s5 =	sld [smem:$0x3FAD]  }
0x2b: {  	s6 =	sld [smem:$0x3FAE]  }
0x2c: {  	s7 =	sld [smem:$0x3FAF]  }
0x2d: {  	s3 =	simm.s32 $0x108;
	s8 =	sld [smem:$0x3FB0]  }
0x2e: {  	s3 =	simm.s32 @!p0 $0x1082;
	s9 =	sld [smem:$0x3FB1]  }
0x2f: {  	lr =	sadd.s32 s0, s3;
	s0 =	sld [smem:$0x3FA8]  }
0x30: {  	s3 =	sld [smem:$0x3FAB]  }
0x31: {  	[smem:$0x3FB4] =	sst s10  }
0x32: {  	s10 =	sld [smem:$0x3FB2];
	_ =	sdelay $0x3  }
0x33: {  	p0 =	seq.s32 s10, $0x1;
	s10 =	sld [smem:$0x3FB4];
	_ =	sdelay $0x3  }
0x34: {  	[smem:$0x3FB4] =	sst s10  }
0x35: {  	s10 =	sld [smem:$0x3FB3];
	_ =	sdelay $0x3  }
0x36: {  	p1 =	seq.s32 s10, $0x1;
	s10 =	sld [smem:$0x3FB4];
	_ =	sdelay $0x3  }
0x37: {  	[smem:$0x3FB4] =	sst s10  }
0x38: {  	s10 =	sld [smem:$0x3FB5]  }
0x39: {  	_ = 	snop;
	(pc) =	sbr.ind lr, $3  }
0x3a: {  	_ = 	snop  }
0x3b: {  	_ = 	snop  }
0x3c: {  	p2 =	seq.s32 s10, $0x1;
	s10 =	sld [smem:$0x3FB4]  }
0x3d: {  	_ =	shalt  }
0x3e: {  	_ =	shalt  }
0x3f: {  	_ =	shalt  }
0x40: {  	_ =	shalt  }
0x41: {  	_ =	shalt  }
0x42: {  	_ =	shalt  }
0x43: {  	_ =	shalt  }
0x44: {  	_ =	shalt  }
0x45: {  	_ =	shalt  }
0x46: {  	_ =	shalt  }
0x47: {  	_ =	shalt  }
0x48: {  	_ =	shalt  }
0x49: {  	_ =	shalt  }
0x4a: {  	_ =	shalt  }
0x4b: {  	_ =	shalt  }
0x4c: {  	_ =	shalt  }
0x4d: {  	_ =	shalt  }
0x4e: {  	_ =	shalt  }
0x4f: {  	_ =	shalt  }
0x50: {  	_ =	shalt  }
0x51: {  	_ =	shalt  }
0x52: {  	_ =	shalt  }
0x53: {  	_ =	shalt  }
0x54: {  	_ =	shalt  }
0x55: {  	_ =	shalt  }
0x56: {  	_ =	shalt  }
0x57: {  	_ =	shalt  }
0x58: {  	_ =	shalt  }
0x59: {  	_ =	shalt  }
0x5a: {  	_ =	shalt  }
0x5b: {  	_ =	shalt  }
0x5c: {  	_ =	shalt  }
0x5d: {  	_ =	shalt  }
0x5e: {  	_ =	shalt  }
0x5f: {  	_ =	shalt  }
0x60: {  	_ =	shalt  }
0x61: {  	_ =	shalt  }
0x62: {  	_ =	shalt  }
0x63: {  	_ =	shalt  }
0x64: {  	_ =	shalt  }
0x65: {  	_ =	shalt  }
0x66: {  	_ =	shalt  }
0x67: {  	_ =	shalt  }
0x68: {  	_ =	shalt  }
0x69: {  	_ =	shalt  }
0x6a: {  	_ =	shalt  }
0x6b: {  	_ =	shalt  }
0x6c: {  	_ =	shalt  }
0x6d: {  	_ =	shalt  }
0x6e: {  	_ =	shalt  }
0x6f: {  	_ =	shalt  }
0x70: {  	_ =	shalt  }
0x71: {  	_ =	shalt  }
0x72: {  	_ =	shalt  }
0x73: {  	_ =	shalt  }
0x74: {  	_ =	shalt  }
0x75: {  	_ =	shalt  }
0x76: {  	_ =	shalt  }
0x77: {  	_ =	shalt  }
0x78: {  	_ =	shalt  }
0x79: {  	_ =	shalt  }
0x7a: {  	_ =	shalt  }
0x7b: {  	_ =	shalt  }
0x7c: {  	_ =	shalt  }
0x7d: {  	_ =	shalt  }
0x7e: {  	_ =	shalt  }
0x7f: {  	_ =	shalt  }
0x80: {  	_ =	shalt  }
0x81: {  	_ =	shalt  }
0x82: {  	_ =	shalt  }
0x83: {  	_ =	shalt  }
0x84: {  	_ =	shalt  }
0x85: {  	_ =	shalt  }
0x86: {  	_ =	shalt  }
0x87: {  	_ =	shalt  }
.Lfunc_end0:
.L_simem_size_0:
called_computation_lowered:
.L_overlay_start_0:
0x88: {  	s2 =	sld [smem:$0x3FD9]  }
0x89: {  	s3 =	sld [smem:$0x3FFE];
	_ =	sdelay $0x1  }
0x8a: {  	s1 =	srdreg.scid  }
0x8b: {  	s0 =	sand.u32 $0x1, s1  }
0x8c: {  	s17 =	sshll.u32 s0, $0xA;
	s2 =	sadd.s32 s3, s2  }
0x8d: {  	s2 =	sadd.s32 s2, s17  }
0x8e: {  	[smem:$0x3FC0] =	sst s2  }
0x8f: {  	_ = 	snop  }
0x90: {  	s2 =	sld [smem:$0x3FC8]  }
0x91: {  	s18 =	sld [smem:$0x3FD0];
	(tm) =	ssettm $0x1  }
0x92: {  	s4 =	sld [smem:$0x3FFB];
	_ =	sdelay $0x3  }
0x93: {  	_ =	strace s4  }
0x94: {  	s4 =	sld [smem:$0x3FFC];
	_ =	sdelay $0x3  }
0x95: {  	_ =	strace s4  }
0x96: {  	s4 =	sld [smem:$0x3FFD];
	_ =	sdelay $0x3  }
0x97: {  	_ =	strace s4  }
0x98: {  	_ =	strace $0x8FFFFFFF  }
0x99: {  	s19 =	sld [smem:$0x3FDB];
	_ =	sdelay $0x1  }
0x9a: {  	s5 =	simm.s32 $_scs_section_size  }
0x9b: {  	s6 =	simm.s32 $_size__tile_overlayer_lowered;
	s7 =	simm.s32 $_tile_overlayer_lowered  }
0x9c: {  	s22 =	simm.s32 $0x1BFF;
	s21 =	sshll.u32 s7, $0x1;
	s4 =	sadd.s32 s5, s19  }
0x9d: {  	s8 =	simm.s32 $0x0;
	s20 =	sshll.u32 s6, $0x1;
	s6 =	sadd.s32 s21, s4  }
0x9e: {  	[timem:s8], [sflag:s22] =	dma.local [hbm:s6], s20  }
0x9f: {  	_ =	swait.ge [sflag:s22], s20  }
0xa0: {  	s5 =	ssub.s32 $0x0, s20;
	[sflag:s22] =	ssyncset.done $0x0  }
0xa1: {  	[sflag:s22] =	ssyncadd.s32 s5;
	_ =	sdelay $0x1  }
0xa2: {  	s23 =	simm.s32 $0x1B8B  }
0xa3: {  	_ =	swait.ge [sflag:s23], $0x1  }
0xa4: {  	[sflag:s23] =	ssyncset.done $0x0  }
0xa5: {  	s25 =	simm.s32 $0x1B8E;
	s24 =	sld [smem:$0x3FFE];
	[sflag:s23] =	ssyncadd.s32 $0xFFFFFFFF  }
0xa6: {  	s26 =	simm.s32 $execute0_lowered;
	[smem:$0x3FD2] =	sst s25  }
0xa7: {  	s6 =	sshll.u32 s26, $0x1;
	_ =	strace $0x80000046;
	[dreg:$0x1] =	wrdreg $0xFFFFFFFF  }
0xa8: {  	s28 =	simm.s32 $_size_execute0_lowered;
	s4 =	sadd.s32 s4, s6;
	[dreg:$0x0] =	wrdreg $0x0  }
0xa9: {  	s6 =	sshll.u32 s28, $0x1;
	[dreg:$0x2] =	wrdreg s4  }
0xaa: {  	[dreg:$0x3] =	wrdreg s6  }
0xab: {  	[dreg:$0x4] =	wrdreg $0xC0  }
0xac: {  	_ =	task [dreg:s8], $0x5FFFF  }
0xad: {  	[dreg:$0x1] =	wrdreg $0xFFFFFFFF  }
0xae: {  	[dreg:$0x0] =	wrdreg $0x60  }
0xaf: {  	[dreg:$0x2] =	wrdreg s24  }
0xb0: {  	[dreg:$0x3] =	wrdreg s2  }
0xb1: {  	[dreg:$0x4] =	wrdreg s18  }
0xb2: {  	[dreg:$0x5] =	wrdreg $0x9  }
0xb3: {  	_ =	task.clear_ibuf [dreg:s8], $0x6FFFF;
	_ =	strace $0x90000046  }
0xb4: {  	s29 =	simm.s32 $0x9;
	_ =	strace $0x80000048  }
0xb5: {  	_ =	swait.ge [sflag:s29], $0x1  }
0xb6: {  	[sflag:s29] =	ssyncadd.s32 $0xFFFFFFFF  }
0xb7: {  	_ =	strace $0x90000048  }
0xb8: {  	_ =	sfence  }
0xb9: {  	s30 =	sld [smem:$0x0];
	_ =	sdelay $0x2  }
0xba: {  	s31 =	sshll.u32 s1, $0xD;
	s1 =	sshrl.u32 s1, $0x2  }
0xbb: {  	s3 =	sand.u32 $0x4000, s31;
	s1 =	sadd.s32 s1, s30  }
0xbc: {  	s0 =	sor.u32 s3, s0;
	s1 =	sshll.u32 s1, $0x11  }
0xbd: {  	s0 =	sor.u32 s1, s0  }
0xbe: {  	s0 =	sadd.s32 $0x8F2B, s0  }
0xbf: {  	[sflag:s0] =	ssyncadd.remote.s32 $0x1  }
0xc0: {  	_ =	sfence.sel $0xFFFF  }
0xc1: {  	[dreg:$0x0] =	wrdreg $0xFFFFFFFF;
	(pc) =	sbr.abs _section_cstart, $3  }
0xc2: {  	[dreg:$0x1] =	wrdreg $0xFFFFFFFF  }
0xc3: {  	_ =	task.clear_ibuf [dreg:s8], $0x2FFFF;
	_ =	strace $0x9FFFFFFF  }
0xc4: {  	(tm) =	ssettm $0x7FFFFFFF  }
0xc5: {  	_ =	shalt  }
tec
execute0_lowered:
.L_overlay_start_1:
0x0: {  	(tag) =	ssettag $0x1  }
0x1: {  	s4 =	rddreg [dreg:$0x0]  }
0x2: {  	s0 =	srdreg.scid;
	s2 =	rddreg [dreg:$0x1]  }
0x3: {  	s6 =	rddreg [dreg:$0x2];
	s3 =	simm.s32 $0x0;
	s10 =	simm.s32 $0x80  }
0x4: {  	s11 =	simm.s32 $0x1;
	s12 =	simm.s32 $0x0;
	s5 =	sand.u32 $0x1, s0  }
0x5: {  	s0 =	stileid.u32;
	[smem:$0x7FF] =	sst s3;
	s1 =	sshll.u32 s5, $0x4  }
0x6: {  	s5 =	ssub.s32 $0x2, s5;
	s7 =	sor.u32 s0, s1;
	s1 =	rddreg [dreg:$0x3]  }
0x7: {  	s9 =	sshrl.u32 s5, $0x1;
	s8 =	smul.u32 $0x380, s7;
	s7 =	sshll.u32 s7, $0xB  }
0x8: {  	_ =	strace $0x80000047;
	s9 =	ssub.s32 s5, s9;
	s6 =	sadd.s32 s6, s7  }
0x9: {  	s7 =	smax.u32 s9, $0x1;
	s9 =	simm.s32 $0x1C00;
	s8 =	sadd.s32 s8, s4  }
0xa: {  	s4 =	sadd.s32 $0x8200, s4;
	s5 =	sadd.s32 $0x1200, s8;
	s8 =	simm.s32 $0x2  }
.LBB2_1:
0xb: {  	[tilespmem:s3], [sflag:$0x2] =	stream.linear.gather [hbm4b:s5+s3], $0x1900, $0x38;
	[tilespmem:$0x5C00] =	vst v63  }
0xc: {  	_ =	swait.ge [sflag:s8], $0x1900  }
0xd: {  	[sflag:s8] =	ssyncset.done $0x0  }
0xe: {  	[sflag:s8] =	ssyncadd.s32 $0xFFFFE700  }
0xf: {  	[tilespmem:s9], [sflag:$0x2] =	stream.linear.gather [hbm4b:s4+s3], $0x4000, $0x38;
	[tilespmem:$0x5C00] =	vst v63  }
0x10: {  	_ =	swait.ge [sflag:s8], $0x4000  }
0x11: {  	[sflag:s8] =	ssyncset.done $0x0  }
0x12: {  	s13 =	simm.s32 $0x0;
	[sflag:s8] =	ssyncadd.s32 $0xFFFFC000  }
.LBB2_2:
0x13: {  	p0 =	sne.s32 s13, $0x6200  }
.Ltmp0:
0x14: {  	_ = 	snop;
	(pc) =	sbr.rel @p0 .LBB2_2-.Ltmp0, $3  }
0x15: {  	_ =	sdelay $0x1  }
0x16: {  	s14 =	sshra.s32 s13, $0x2;
	s13 =	sadd.s32 $0x200, s13  }
0x17: {  	[tilespmem:s9], [sflag:$0x1] =	stream.indirect.gather.add.f32 [hbm:s2], $0x80, s14, s10, $0xb8;
	[tilespmem:$0x5C00] =	vst v63  }
0x18: {  	_ =	swait.ge [sflag:s11], $0x4000  }
0x19: {  	s13 =	simm.s32 $0x31;
	[sflag:s11] =	ssyncset.done $0x0  }
.LBB2_4:
0x1a: {  	p0 =	sne.s32 s13, $0x1;
	s13 =	sadd.s32 $0xFFFFFFFF, s13;
	[sflag:s11] =	ssyncadd.s32 $0xFFFFC000  }
.Ltmp1:
0x1b: {  	(pc) =	sbr.rel @p0 .LBB2_4-.Ltmp1, $3  }
0x1c: {  	_ =	sdelay $0x1  }
0x1d: {  	_ =	swait.ge [sflag:s11], $0x4000  }
0x1e: {  	[sflag:s11] =	ssyncset.done $0x0  }
0x1f: {  	s12 =	sadd.s32 $0x1, s12  }
0x20: {  	p0 =	sne.s32 s12, s7  }
.Ltmp2:
0x21: {  	[sflag:s11] =	ssyncadd.s32 $0xFFFFC000;
	(pc) =	sbr.rel @p0 .LBB2_1-.Ltmp2, $4  }
0x22: {  	[hbm4b:s6+s3] =	stream.linear.scatter [tilespmem:s9], [sflag:$0x2], $0x4000, $0x38;
	[tilespmem:$0x5C00] =	vst v63  }
0x23: {  	_ =	swait.ge [sflag:s8], $0x4000  }
0x24: {  	[sflag:s8] =	ssyncset.done $0x0  }
0x25: {  	[sflag:s8] =	ssyncadd.s32 $0xFFFFC000  }
0x26: {  	_ =	sfence.sel $0x180000  }
0x27: {  	[bflag:$0x0] =	sbarrier.arrive $0xFFFF  }
0x28: {  	p0 =	sne.s32 s0, $0x0;
	_ =	strace $0x90000047  }
0x29: {  	s0 =	sadd.s32 @!p0 $0x100000, s1;
	[bflag:$0x2] =	sbarrier.arrive $0xFFFF  }
0x2a: {  	[sflag:s0] =	ssyncadd.tile.s32 @!p0 $0x1;
	_ =	shalt  }
.Lfunc_end2:
_tile_overlayer_lowered:
.L_overlay_start_2:
0x2b: {  	(tag) =	ssettag $0x2  }
0x2c: {  	s0 =	rddreg [dreg:$0x0];
	s2 =	stileid.u32  }
0x2d: {  	s1 =	rddreg [dreg:$0x1];
	p0 =	sne.s32 s2, $0x0  }
0x2e: {  	s3 =	rddreg [dreg:$0x2];
	[bflag:$0x3] =	sbarrier.arrive $0xFFFF;
	s2 =	simm.s32 @!p0 $0x1C02  }
0x2f: {  	[timem:s3], [sflag:s2] =	dma.local @!p0 [hbm:s0], s1  }
0x30: {  	s0 =	simm.s32 @!p0 $0x2  }
0x31: {  	_ =	swait.ge @!p0 [sflag:s0], s1  }
0x32: {  	s1 =	ssub.s32 @!p0 $0x0, s1;
	[sflag:s0] =	ssyncset.done @!p0 $0x0  }
0x33: {  	[sflag:s0] =	ssyncadd.s32 @!p0 s1  }
0x34: {  	[bflag:$0x3] =	sbarrier.arrive $0xFFFF  }
0x35: {  	_ =	shalt  }

</sc_bundles>
